<compile_context>
chip_gen: v7x
topology: tpu7x:2x2x1
jax: 0.10.2.dev20260603
libtpu: 0.0.44.dev20260713+nightly
codegen_flags: <defaults>
</compile_context>

<pallas_src>
import functools

import jax
import jax.numpy as jnp
from jax import lax
from jax.experimental import pallas as pl
from jax.experimental.pallas import tpu as pltpu
from jax.experimental.pallas import tpu_sc as plsc

_DIM = 64
_CHUNK = 128


@functools.lru_cache(maxsize=None)
def _build(flat, dim):
    info = plsc.get_sparse_core_info()
    nc, ns = info.num_cores, info.num_subcores
    nw = nc * ns
    b_per_w = flat // nw
    n_chunks = b_per_w // _CHUNK
    mesh = plsc.VectorSubcoreMesh(core_axis_name="c", subcore_axis_name="s")

    @functools.partial(
        pl.kernel,
        mesh=mesh,
        compiler_params=pltpu.CompilerParams(use_tc_tiling_on_sc=False),
        out_type=jax.ShapeDtypeStruct((flat, dim), jnp.float32),
        scratch_types=[
            pltpu.VMEM((n_chunks, _CHUNK), jnp.int32),
            pltpu.VMEM((b_per_w, dim), jnp.float32),
            pltpu.VMEM_SHARED((1001, dim), jnp.float32),
            pltpu.SemaphoreType.DMA,
        ],
    )
    def gather_kernel(idx_hbm, table_hbm, out_hbm, idx_v, rows_v, table_s, sem):
        sid = lax.axis_index("s")
        wid = sid * nc + lax.axis_index("c")
        @pl.when(sid == 0)
        def _():
            pltpu.sync_copy(table_hbm, table_s)

        pltpu.sync_copy(idx_hbm.at[wid], idx_v)
        plsc.subcore_barrier()
        gathers = [
            pltpu.async_copy(
                table_s.at[idx_v.at[c]],
                rows_v.at[pl.ds(c * _CHUNK, _CHUNK)],
                sem,
            )
            for c in range(n_chunks)
        ]
        for cp in gathers:
            cp.wait()
        pltpu.sync_copy(rows_v, out_hbm.at[pl.ds(wid * b_per_w, b_per_w)])

    return gather_kernel, nw, n_chunks


def kernel(pos_ids, pos_embed):
    batch = pos_ids.shape[0]
    flat = batch * 2
    gather_kernel, nw, n_chunks = _build(flat, _DIM)
    idx = pos_ids.reshape(nw, n_chunks, _CHUNK).astype(jnp.int32)
    out = gather_kernel(idx, pos_embed)
    return out.reshape(batch, 2 * _DIM)

# --- scband reference (transcript-rebuilt; emitter-appended) ---
"""Pipeline reference for scband-posbigram-context-18537078850189 (READ-ONLY COPY).

The authoritative reference and input builder live on the scoring server;
editing this copy changes nothing except your own understanding.
"""

import jax, jax.numpy as jnp
import numpy as np

NUM_POS_TAGS = 1000
POS_EMBED_DIM = 64
BATCH = 16384

def setup_inputs(seed: int = 0) -> dict:
    key = jax.random.key(seed)
    k1, k2 = jax.random.split(key)
    pos_ids = jax.random.randint(k1, (BATCH, 2), 0, NUM_POS_TAGS + 1, dtype=jnp.int64 if jax.config.jax_enable_x64 else jnp.int32)
    table = jax.random.normal(k2, (NUM_POS_TAGS + 1, POS_EMBED_DIM), dtype=jnp.float32)
    # padding_idx=0: row 0 is zeros (torch initializes padding row to zero)
    table = table.at[0].set(0.0)
    return {"pos_ids": pos_ids, "pos_embed": table}

def reference(pos_ids, pos_embed):
    # Faithful translation of POSBigramContext.forward
    left = jnp.take(pos_embed, pos_ids[:, 0], axis=0)
    right = jnp.take(pos_embed, pos_ids[:, 1], axis=0)
    return jnp.concatenate([left, right], axis=-1)

if __name__ == "__main__":
    import jax
    _d = setup_inputs()
    print(jax.jit(kernel)(*tuple(_d.values())))

</pallas_src>

<mosaic_0001>
#map = affine_map<(d0, d1) -> (0, 0, 0)>
#map1 = affine_map<(d0, d1) -> (0, 0)>
module attributes {stable_mosaic.version = 14 : i64} {
  func.func @gather_kernel(%arg0: i32, %arg1: i32, %arg2: memref<32x8x128xi32, #tpu.memory_space<hbm>>, %arg3: memref<1001x64xf32, #tpu.memory_space<hbm>>, %arg4: memref<32768x64xf32, #tpu.memory_space<hbm>>, %arg5: memref<8x128xi32, #tpu.memory_space<vmem>>, %arg6: memref<1024x64xf32, #tpu.memory_space<vmem>>, %arg7: memref<1001x64xf32, #tpu.memory_space<vmem_shared>>, %arg8: memref<!tpu.dma_semaphore, #tpu.memory_space<semaphore_mem>>) attributes {dimension_semantics = [#tpu.dimension_semantics<core_parallel>, #tpu.dimension_semantics<subcore_parallel>], iteration_bounds = array<i64: 2, 16>, scalar_prefetch = 0 : i64, scratch_operands = 4 : i64, tpu.core_type = #tpu.core_type<sc_vector_subcore>, window_params = [{transform_indices = #map}, {transform_indices = #map1}, {transform_indices = #map1}]} {
    %mul3A = arith.constant 2 : i32
    %mul3A_0 = arith.muli %arg1, %mul3A : i32
    %add3A = arith.addi %mul3A_0, %arg0 : i32
    %eq3A = arith.constant 0 : i32
    %eq3A_1 = arith.cmpi eq, %arg1, %eq3A : i32
    %convert_element_type3A = arith.extui %eq3A_1 : i1 to i32
    %cond3A = arith.constant 0 : i32
    %cond3A_2 = arith.cmpi ne, %convert_element_type3A, %cond3A : i32
    scf.if %cond3A_2 {
      "tpu.region"() ({
        %run_scoped3A = tpu.sem_alloc : memref<!tpu.dma_semaphore, #tpu.memory_space<semaphore_mem>>
        tpu.enqueue_dma source(%arg3 : memref<1001x64xf32, #tpu.memory_space<hbm>>) target(%arg7 : memref<1001x64xf32, #tpu.memory_space<vmem_shared>>) target_semaphore(%run_scoped3A : memref<!tpu.dma_semaphore, #tpu.memory_space<semaphore_mem>>)
        tpu.wait_dma2 semaphore(%run_scoped3A : memref<!tpu.dma_semaphore, #tpu.memory_space<semaphore_mem>>) src(%arg3 : memref<1001x64xf32, #tpu.memory_space<hbm>>) dst(%arg7 : memref<1001x64xf32, #tpu.memory_space<vmem_shared>>)
        tpu.yield
      }) : () -> ()
    } else {
    }
    "tpu.region"() ({
      %run_scoped3A = tpu.sem_alloc : memref<!tpu.dma_semaphore, #tpu.memory_space<semaphore_mem>>
      %dma_start3A_163 = arith.constant 0 : i32
      %dma_start3A_164 = arith.constant 0 : i32
      %dma_start3A_165 = tpu.memref_slice %arg2[%add3A, %dma_start3A_163, %dma_start3A_164] : memref<32x8x128xi32, #tpu.memory_space<hbm>> -> memref<1x8x128xi32, #tpu.memory_space<hbm>>
      %dma_start3A_166 = tpu.memref_squeeze %dma_start3A_165 : memref<1x8x128xi32, #tpu.memory_space<hbm>> -> memref<8x128xi32, #tpu.memory_space<hbm>>
      %dma_start3A_167 = arith.constant 0 : i32
      %dma_start3A_168 = arith.constant 0 : i32
      %dma_start3A_169 = tpu.memref_slice %arg2[%add3A, %dma_start3A_167, %dma_start3A_168] : memref<32x8x128xi32, #tpu.memory_space<hbm>> -> memref<1x8x128xi32, #tpu.memory_space<hbm>>
      %dma_start3A_170 = tpu.memref_squeeze %dma_start3A_169 : memref<1x8x128xi32, #tpu.memory_space<hbm>> -> memref<8x128xi32, #tpu.memory_space<hbm>>
      tpu.enqueue_dma source(%dma_start3A_170 : memref<8x128xi32, #tpu.memory_space<hbm>>) target(%arg5 : memref<8x128xi32, #tpu.memory_space<vmem>>) target_semaphore(%run_scoped3A : memref<!tpu.dma_semaphore, #tpu.memory_space<semaphore_mem>>)
      %dma_wait3A_171 = arith.constant 0 : i32
      %dma_wait3A_172 = arith.constant 0 : i32
      %dma_wait3A_173 = tpu.memref_slice %arg2[%add3A, %dma_wait3A_171, %dma_wait3A_172] : memref<32x8x128xi32, #tpu.memory_space<hbm>> -> memref<1x8x128xi32, #tpu.memory_space<hbm>>
      %dma_wait3A_174 = tpu.memref_squeeze %dma_wait3A_173 : memref<1x8x128xi32, #tpu.memory_space<hbm>> -> memref<8x128xi32, #tpu.memory_space<hbm>>
      %dma_wait3A_175 = arith.constant 0 : i32
      %dma_wait3A_176 = arith.constant 0 : i32
      %dma_wait3A_177 = tpu.memref_slice %arg2[%add3A, %dma_wait3A_175, %dma_wait3A_176] : memref<32x8x128xi32, #tpu.memory_space<hbm>> -> memref<1x8x128xi32, #tpu.memory_space<hbm>>
      %dma_wait3A_178 = tpu.memref_squeeze %dma_wait3A_177 : memref<1x8x128xi32, #tpu.memory_space<hbm>> -> memref<8x128xi32, #tpu.memory_space<hbm>>
      tpu.wait_dma2 semaphore(%run_scoped3A : memref<!tpu.dma_semaphore, #tpu.memory_space<semaphore_mem>>) src(%dma_wait3A_178 : memref<8x128xi32, #tpu.memory_space<hbm>>) dst(%arg5 : memref<8x128xi32, #tpu.memory_space<vmem>>)
      tpu.yield
    }) : () -> ()
    %barrier3A = arith.constant 0 : index
    tpu.barrier barrier_id(%barrier3A)
    %dma_start3A = arith.constant 0 : i32
    %dma_start3A_3 = arith.constant 0 : i32
    %dma_start3A_4 = arith.constant 0 : i32
    %dma_start3A_5 = tpu.memref_slice %arg6[%dma_start3A_3, %dma_start3A_4] : memref<1024x64xf32, #tpu.memory_space<vmem>> -> memref<128x64xf32, #tpu.memory_space<vmem>>
    %dma_start3A_6 = arith.constant 0 : i32
    %dma_start3A_7 = tpu.memref_slice %arg5[%dma_start3A, %dma_start3A_6] : memref<8x128xi32, #tpu.memory_space<vmem>> -> memref<1x128xi32, #tpu.memory_space<vmem>>
    %dma_start3A_8 = tpu.memref_squeeze %dma_start3A_7 : memref<1x128xi32, #tpu.memory_space<vmem>> -> memref<128xi32, #tpu.memory_space<vmem>>
    %dma_start3A_9 = arith.constant 0 : i32
    %dma_start3A_10 = arith.constant 0 : i32
    %dma_start3A_11 = tpu.memref_slice %arg7[%dma_start3A_9, %dma_start3A_10] : memref<1001x64xf32, #tpu.memory_space<vmem_shared>> -> memref<1001x64xf32, #tpu.memory_space<vmem_shared>>
    tpu.enqueue_indirect_dma source(%dma_start3A_11 : memref<1001x64xf32, #tpu.memory_space<vmem_shared>>) target(%dma_start3A_5 : memref<128x64xf32, #tpu.memory_space<vmem>>) offsets(%dma_start3A_8 : memref<128xi32, #tpu.memory_space<vmem>>) semaphore(%arg8 : memref<!tpu.dma_semaphore, #tpu.memory_space<semaphore_mem>>)
    %dma_start3A_12 = arith.constant 1 : i32
    %dma_start3A_13 = arith.constant 128 : i32
    %dma_start3A_14 = arith.constant 0 : i32
    %dma_start3A_15 = tpu.memref_slice %arg6[%dma_start3A_13, %dma_start3A_14] : memref<1024x64xf32, #tpu.memory_space<vmem>> -> memref<128x64xf32, #tpu.memory_space<vmem>>
    %dma_start3A_16 = arith.constant 0 : i32
    %dma_start3A_17 = tpu.memref_slice %arg5[%dma_start3A_12, %dma_start3A_16] : memref<8x128xi32, #tpu.memory_space<vmem>> -> memref<1x128xi32, #tpu.memory_space<vmem>>
    %dma_start3A_18 = tpu.memref_squeeze %dma_start3A_17 : memref<1x128xi32, #tpu.memory_space<vmem>> -> memref<128xi32, #tpu.memory_space<vmem>>
    %dma_start3A_19 = arith.constant 0 : i32
    %dma_start3A_20 = arith.constant 0 : i32
    %dma_start3A_21 = tpu.memref_slice %arg7[%dma_start3A_19, %dma_start3A_20] : memref<1001x64xf32, #tpu.memory_space<vmem_shared>> -> memref<1001x64xf32, #tpu.memory_space<vmem_shared>>
    tpu.enqueue_indirect_dma source(%dma_start3A_21 : memref<1001x64xf32, #tpu.memory_space<vmem_shared>>) target(%dma_start3A_15 : memref<128x64xf32, #tpu.memory_space<vmem>>) offsets(%dma_start3A_18 : memref<128xi32, #tpu.memory_space<vmem>>) semaphore(%arg8 : memref<!tpu.dma_semaphore, #tpu.memory_space<semaphore_mem>>)
    %dma_start3A_22 = arith.constant 2 : i32
    %dma_start3A_23 = arith.constant 256 : i32
    %dma_start3A_24 = arith.constant 0 : i32
    %dma_start3A_25 = tpu.memref_slice %arg6[%dma_start3A_23, %dma_start3A_24] : memref<1024x64xf32, #tpu.memory_space<vmem>> -> memref<128x64xf32, #tpu.memory_space<vmem>>
    %dma_start3A_26 = arith.constant 0 : i32
    %dma_start3A_27 = tpu.memref_slice %arg5[%dma_start3A_22, %dma_start3A_26] : memref<8x128xi32, #tpu.memory_space<vmem>> -> memref<1x128xi32, #tpu.memory_space<vmem>>
    %dma_start3A_28 = tpu.memref_squeeze %dma_start3A_27 : memref<1x128xi32, #tpu.memory_space<vmem>> -> memref<128xi32, #tpu.memory_space<vmem>>
    %dma_start3A_29 = arith.constant 0 : i32
    %dma_start3A_30 = arith.constant 0 : i32
    %dma_start3A_31 = tpu.memref_slice %arg7[%dma_start3A_29, %dma_start3A_30] : memref<1001x64xf32, #tpu.memory_space<vmem_shared>> -> memref<1001x64xf32, #tpu.memory_space<vmem_shared>>
    tpu.enqueue_indirect_dma source(%dma_start3A_31 : memref<1001x64xf32, #tpu.memory_space<vmem_shared>>) target(%dma_start3A_25 : memref<128x64xf32, #tpu.memory_space<vmem>>) offsets(%dma_start3A_28 : memref<128xi32, #tpu.memory_space<vmem>>) semaphore(%arg8 : memref<!tpu.dma_semaphore, #tpu.memory_space<semaphore_mem>>)
    %dma_start3A_32 = arith.constant 3 : i32
    %dma_start3A_33 = arith.constant 384 : i32
    %dma_start3A_34 = arith.constant 0 : i32
    %dma_start3A_35 = tpu.memref_slice %arg6[%dma_start3A_33, %dma_start3A_34] : memref<1024x64xf32, #tpu.memory_space<vmem>> -> memref<128x64xf32, #tpu.memory_space<vmem>>
    %dma_start3A_36 = arith.constant 0 : i32
    %dma_start3A_37 = tpu.memref_slice %arg5[%dma_start3A_32, %dma_start3A_36] : memref<8x128xi32, #tpu.memory_space<vmem>> -> memref<1x128xi32, #tpu.memory_space<vmem>>
    %dma_start3A_38 = tpu.memref_squeeze %dma_start3A_37 : memref<1x128xi32, #tpu.memory_space<vmem>> -> memref<128xi32, #tpu.memory_space<vmem>>
    %dma_start3A_39 = arith.constant 0 : i32
    %dma_start3A_40 = arith.constant 0 : i32
    %dma_start3A_41 = tpu.memref_slice %arg7[%dma_start3A_39, %dma_start3A_40] : memref<1001x64xf32, #tpu.memory_space<vmem_shared>> -> memref<1001x64xf32, #tpu.memory_space<vmem_shared>>
    tpu.enqueue_indirect_dma source(%dma_start3A_41 : memref<1001x64xf32, #tpu.memory_space<vmem_shared>>) target(%dma_start3A_35 : memref<128x64xf32, #tpu.memory_space<vmem>>) offsets(%dma_start3A_38 : memref<128xi32, #tpu.memory_space<vmem>>) semaphore(%arg8 : memref<!tpu.dma_semaphore, #tpu.memory_space<semaphore_mem>>)
    %dma_start3A_42 = arith.constant 4 : i32
    %dma_start3A_43 = arith.constant 512 : i32
    %dma_start3A_44 = arith.constant 0 : i32
    %dma_start3A_45 = tpu.memref_slice %arg6[%dma_start3A_43, %dma_start3A_44] : memref<1024x64xf32, #tpu.memory_space<vmem>> -> memref<128x64xf32, #tpu.memory_space<vmem>>
    %dma_start3A_46 = arith.constant 0 : i32
    %dma_start3A_47 = tpu.memref_slice %arg5[%dma_start3A_42, %dma_start3A_46] : memref<8x128xi32, #tpu.memory_space<vmem>> -> memref<1x128xi32, #tpu.memory_space<vmem>>
    %dma_start3A_48 = tpu.memref_squeeze %dma_start3A_47 : memref<1x128xi32, #tpu.memory_space<vmem>> -> memref<128xi32, #tpu.memory_space<vmem>>
    %dma_start3A_49 = arith.constant 0 : i32
    %dma_start3A_50 = arith.constant 0 : i32
    %dma_start3A_51 = tpu.memref_slice %arg7[%dma_start3A_49, %dma_start3A_50] : memref<1001x64xf32, #tpu.memory_space<vmem_shared>> -> memref<1001x64xf32, #tpu.memory_space<vmem_shared>>
    tpu.enqueue_indirect_dma source(%dma_start3A_51 : memref<1001x64xf32, #tpu.memory_space<vmem_shared>>) target(%dma_start3A_45 : memref<128x64xf32, #tpu.memory_space<vmem>>) offsets(%dma_start3A_48 : memref<128xi32, #tpu.memory_space<vmem>>) semaphore(%arg8 : memref<!tpu.dma_semaphore, #tpu.memory_space<semaphore_mem>>)
    %dma_start3A_52 = arith.constant 5 : i32
    %dma_start3A_53 = arith.constant 640 : i32
    %dma_start3A_54 = arith.constant 0 : i32
    %dma_start3A_55 = tpu.memref_slice %arg6[%dma_start3A_53, %dma_start3A_54] : memref<1024x64xf32, #tpu.memory_space<vmem>> -> memref<128x64xf32, #tpu.memory_space<vmem>>
    %dma_start3A_56 = arith.constant 0 : i32
    %dma_start3A_57 = tpu.memref_slice %arg5[%dma_start3A_52, %dma_start3A_56] : memref<8x128xi32, #tpu.memory_space<vmem>> -> memref<1x128xi32, #tpu.memory_space<vmem>>
    %dma_start3A_58 = tpu.memref_squeeze %dma_start3A_57 : memref<1x128xi32, #tpu.memory_space<vmem>> -> memref<128xi32, #tpu.memory_space<vmem>>
    %dma_start3A_59 = arith.constant 0 : i32
    %dma_start3A_60 = arith.constant 0 : i32
    %dma_start3A_61 = tpu.memref_slice %arg7[%dma_start3A_59, %dma_start3A_60] : memref<1001x64xf32, #tpu.memory_space<vmem_shared>> -> memref<1001x64xf32, #tpu.memory_space<vmem_shared>>
    tpu.enqueue_indirect_dma source(%dma_start3A_61 : memref<1001x64xf32, #tpu.memory_space<vmem_shared>>) target(%dma_start3A_55 : memref<128x64xf32, #tpu.memory_space<vmem>>) offsets(%dma_start3A_58 : memref<128xi32, #tpu.memory_space<vmem>>) semaphore(%arg8 : memref<!tpu.dma_semaphore, #tpu.memory_space<semaphore_mem>>)
    %dma_start3A_62 = arith.constant 6 : i32
    %dma_start3A_63 = arith.constant 768 : i32
    %dma_start3A_64 = arith.constant 0 : i32
    %dma_start3A_65 = tpu.memref_slice %arg6[%dma_start3A_63, %dma_start3A_64] : memref<1024x64xf32, #tpu.memory_space<vmem>> -> memref<128x64xf32, #tpu.memory_space<vmem>>
    %dma_start3A_66 = arith.constant 0 : i32
    %dma_start3A_67 = tpu.memref_slice %arg5[%dma_start3A_62, %dma_start3A_66] : memref<8x128xi32, #tpu.memory_space<vmem>> -> memref<1x128xi32, #tpu.memory_space<vmem>>
    %dma_start3A_68 = tpu.memref_squeeze %dma_start3A_67 : memref<1x128xi32, #tpu.memory_space<vmem>> -> memref<128xi32, #tpu.memory_space<vmem>>
    %dma_start3A_69 = arith.constant 0 : i32
    %dma_start3A_70 = arith.constant 0 : i32
    %dma_start3A_71 = tpu.memref_slice %arg7[%dma_start3A_69, %dma_start3A_70] : memref<1001x64xf32, #tpu.memory_space<vmem_shared>> -> memref<1001x64xf32, #tpu.memory_space<vmem_shared>>
    tpu.enqueue_indirect_dma source(%dma_start3A_71 : memref<1001x64xf32, #tpu.memory_space<vmem_shared>>) target(%dma_start3A_65 : memref<128x64xf32, #tpu.memory_space<vmem>>) offsets(%dma_start3A_68 : memref<128xi32, #tpu.memory_space<vmem>>) semaphore(%arg8 : memref<!tpu.dma_semaphore, #tpu.memory_space<semaphore_mem>>)
    %dma_start3A_72 = arith.constant 7 : i32
    %dma_start3A_73 = arith.constant 896 : i32
    %dma_start3A_74 = arith.constant 0 : i32
    %dma_start3A_75 = tpu.memref_slice %arg6[%dma_start3A_73, %dma_start3A_74] : memref<1024x64xf32, #tpu.memory_space<vmem>> -> memref<128x64xf32, #tpu.memory_space<vmem>>
    %dma_start3A_76 = arith.constant 0 : i32
    %dma_start3A_77 = tpu.memref_slice %arg5[%dma_start3A_72, %dma_start3A_76] : memref<8x128xi32, #tpu.memory_space<vmem>> -> memref<1x128xi32, #tpu.memory_space<vmem>>
    %dma_start3A_78 = tpu.memref_squeeze %dma_start3A_77 : memref<1x128xi32, #tpu.memory_space<vmem>> -> memref<128xi32, #tpu.memory_space<vmem>>
    %dma_start3A_79 = arith.constant 0 : i32
    %dma_start3A_80 = arith.constant 0 : i32
    %dma_start3A_81 = tpu.memref_slice %arg7[%dma_start3A_79, %dma_start3A_80] : memref<1001x64xf32, #tpu.memory_space<vmem_shared>> -> memref<1001x64xf32, #tpu.memory_space<vmem_shared>>
    tpu.enqueue_indirect_dma source(%dma_start3A_81 : memref<1001x64xf32, #tpu.memory_space<vmem_shared>>) target(%dma_start3A_75 : memref<128x64xf32, #tpu.memory_space<vmem>>) offsets(%dma_start3A_78 : memref<128xi32, #tpu.memory_space<vmem>>) semaphore(%arg8 : memref<!tpu.dma_semaphore, #tpu.memory_space<semaphore_mem>>)
    %dma_wait3A = arith.constant 0 : i32
    %dma_wait3A_82 = arith.constant 0 : i32
    %dma_wait3A_83 = arith.constant 0 : i32
    %dma_wait3A_84 = tpu.memref_slice %arg6[%dma_wait3A_82, %dma_wait3A_83] : memref<1024x64xf32, #tpu.memory_space<vmem>> -> memref<128x64xf32, #tpu.memory_space<vmem>>
    %dma_wait3A_85 = arith.constant 0 : i32
    %dma_wait3A_86 = tpu.memref_slice %arg5[%dma_wait3A, %dma_wait3A_85] : memref<8x128xi32, #tpu.memory_space<vmem>> -> memref<1x128xi32, #tpu.memory_space<vmem>>
    %dma_wait3A_87 = tpu.memref_squeeze %dma_wait3A_86 : memref<1x128xi32, #tpu.memory_space<vmem>> -> memref<128xi32, #tpu.memory_space<vmem>>
    %dma_wait3A_88 = arith.constant 0 : i32
    %dma_wait3A_89 = arith.constant 0 : i32
    %dma_wait3A_90 = tpu.memref_slice %arg7[%dma_wait3A_88, %dma_wait3A_89] : memref<1001x64xf32, #tpu.memory_space<vmem_shared>> -> memref<1001x64xf32, #tpu.memory_space<vmem_shared>>
    tpu.wait_indirect_dma semaphore(%arg8 : memref<!tpu.dma_semaphore, #tpu.memory_space<semaphore_mem>>) src(%dma_wait3A_90 : memref<1001x64xf32, #tpu.memory_space<vmem_shared>>) dst(%dma_wait3A_84 : memref<128x64xf32, #tpu.memory_space<vmem>>)
    %dma_wait3A_91 = arith.constant 1 : i32
    %dma_wait3A_92 = arith.constant 128 : i32
    %dma_wait3A_93 = arith.constant 0 : i32
    %dma_wait3A_94 = tpu.memref_slice %arg6[%dma_wait3A_92, %dma_wait3A_93] : memref<1024x64xf32, #tpu.memory_space<vmem>> -> memref<128x64xf32, #tpu.memory_space<vmem>>
    %dma_wait3A_95 = arith.constant 0 : i32
    %dma_wait3A_96 = tpu.memref_slice %arg5[%dma_wait3A_91, %dma_wait3A_95] : memref<8x128xi32, #tpu.memory_space<vmem>> -> memref<1x128xi32, #tpu.memory_space<vmem>>
    %dma_wait3A_97 = tpu.memref_squeeze %dma_wait3A_96 : memref<1x128xi32, #tpu.memory_space<vmem>> -> memref<128xi32, #tpu.memory_space<vmem>>
    %dma_wait3A_98 = arith.constant 0 : i32
    %dma_wait3A_99 = arith.constant 0 : i32
    %dma_wait3A_100 = tpu.memref_slice %arg7[%dma_wait3A_98, %dma_wait3A_99] : memref<1001x64xf32, #tpu.memory_space<vmem_shared>> -> memref<1001x64xf32, #tpu.memory_space<vmem_shared>>
    tpu.wait_indirect_dma semaphore(%arg8 : memref<!tpu.dma_semaphore, #tpu.memory_space<semaphore_mem>>) src(%dma_wait3A_100 : memref<1001x64xf32, #tpu.memory_space<vmem_shared>>) dst(%dma_wait3A_94 : memref<128x64xf32, #tpu.memory_space<vmem>>)
    %dma_wait3A_101 = arith.constant 2 : i32
    %dma_wait3A_102 = arith.constant 256 : i32
    %dma_wait3A_103 = arith.constant 0 : i32
    %dma_wait3A_104 = tpu.memref_slice %arg6[%dma_wait3A_102, %dma_wait3A_103] : memref<1024x64xf32, #tpu.memory_space<vmem>> -> memref<128x64xf32, #tpu.memory_space<vmem>>
    %dma_wait3A_105 = arith.constant 0 : i32
    %dma_wait3A_106 = tpu.memref_slice %arg5[%dma_wait3A_101, %dma_wait3A_105] : memref<8x128xi32, #tpu.memory_space<vmem>> -> memref<1x128xi32, #tpu.memory_space<vmem>>
    %dma_wait3A_107 = tpu.memref_squeeze %dma_wait3A_106 : memref<1x128xi32, #tpu.memory_space<vmem>> -> memref<128xi32, #tpu.memory_space<vmem>>
    %dma_wait3A_108 = arith.constant 0 : i32
    %dma_wait3A_109 = arith.constant 0 : i32
    %dma_wait3A_110 = tpu.memref_slice %arg7[%dma_wait3A_108, %dma_wait3A_109] : memref<1001x64xf32, #tpu.memory_space<vmem_shared>> -> memref<1001x64xf32, #tpu.memory_space<vmem_shared>>
    tpu.wait_indirect_dma semaphore(%arg8 : memref<!tpu.dma_semaphore, #tpu.memory_space<semaphore_mem>>) src(%dma_wait3A_110 : memref<1001x64xf32, #tpu.memory_space<vmem_shared>>) dst(%dma_wait3A_104 : memref<128x64xf32, #tpu.memory_space<vmem>>)
    %dma_wait3A_111 = arith.constant 3 : i32
    %dma_wait3A_112 = arith.constant 384 : i32
    %dma_wait3A_113 = arith.constant 0 : i32
    %dma_wait3A_114 = tpu.memref_slice %arg6[%dma_wait3A_112, %dma_wait3A_113] : memref<1024x64xf32, #tpu.memory_space<vmem>> -> memref<128x64xf32, #tpu.memory_space<vmem>>
    %dma_wait3A_115 = arith.constant 0 : i32
    %dma_wait3A_116 = tpu.memref_slice %arg5[%dma_wait3A_111, %dma_wait3A_115] : memref<8x128xi32, #tpu.memory_space<vmem>> -> memref<1x128xi32, #tpu.memory_space<vmem>>
    %dma_wait3A_117 = tpu.memref_squeeze %dma_wait3A_116 : memref<1x128xi32, #tpu.memory_space<vmem>> -> memref<128xi32, #tpu.memory_space<vmem>>
    %dma_wait3A_118 = arith.constant 0 : i32
    %dma_wait3A_119 = arith.constant 0 : i32
    %dma_wait3A_120 = tpu.memref_slice %arg7[%dma_wait3A_118, %dma_wait3A_119] : memref<1001x64xf32, #tpu.memory_space<vmem_shared>> -> memref<1001x64xf32, #tpu.memory_space<vmem_shared>>
    tpu.wait_indirect_dma semaphore(%arg8 : memref<!tpu.dma_semaphore, #tpu.memory_space<semaphore_mem>>) src(%dma_wait3A_120 : memref<1001x64xf32, #tpu.memory_space<vmem_shared>>) dst(%dma_wait3A_114 : memref<128x64xf32, #tpu.memory_space<vmem>>)
    %dma_wait3A_121 = arith.constant 4 : i32
    %dma_wait3A_122 = arith.constant 512 : i32
    %dma_wait3A_123 = arith.constant 0 : i32
    %dma_wait3A_124 = tpu.memref_slice %arg6[%dma_wait3A_122, %dma_wait3A_123] : memref<1024x64xf32, #tpu.memory_space<vmem>> -> memref<128x64xf32, #tpu.memory_space<vmem>>
    %dma_wait3A_125 = arith.constant 0 : i32
    %dma_wait3A_126 = tpu.memref_slice %arg5[%dma_wait3A_121, %dma_wait3A_125] : memref<8x128xi32, #tpu.memory_space<vmem>> -> memref<1x128xi32, #tpu.memory_space<vmem>>
    %dma_wait3A_127 = tpu.memref_squeeze %dma_wait3A_126 : memref<1x128xi32, #tpu.memory_space<vmem>> -> memref<128xi32, #tpu.memory_space<vmem>>
    %dma_wait3A_128 = arith.constant 0 : i32
    %dma_wait3A_129 = arith.constant 0 : i32
    %dma_wait3A_130 = tpu.memref_slice %arg7[%dma_wait3A_128, %dma_wait3A_129] : memref<1001x64xf32, #tpu.memory_space<vmem_shared>> -> memref<1001x64xf32, #tpu.memory_space<vmem_shared>>
    tpu.wait_indirect_dma semaphore(%arg8 : memref<!tpu.dma_semaphore, #tpu.memory_space<semaphore_mem>>) src(%dma_wait3A_130 : memref<1001x64xf32, #tpu.memory_space<vmem_shared>>) dst(%dma_wait3A_124 : memref<128x64xf32, #tpu.memory_space<vmem>>)
    %dma_wait3A_131 = arith.constant 5 : i32
    %dma_wait3A_132 = arith.constant 640 : i32
    %dma_wait3A_133 = arith.constant 0 : i32
    %dma_wait3A_134 = tpu.memref_slice %arg6[%dma_wait3A_132, %dma_wait3A_133] : memref<1024x64xf32, #tpu.memory_space<vmem>> -> memref<128x64xf32, #tpu.memory_space<vmem>>
    %dma_wait3A_135 = arith.constant 0 : i32
    %dma_wait3A_136 = tpu.memref_slice %arg5[%dma_wait3A_131, %dma_wait3A_135] : memref<8x128xi32, #tpu.memory_space<vmem>> -> memref<1x128xi32, #tpu.memory_space<vmem>>
    %dma_wait3A_137 = tpu.memref_squeeze %dma_wait3A_136 : memref<1x128xi32, #tpu.memory_space<vmem>> -> memref<128xi32, #tpu.memory_space<vmem>>
    %dma_wait3A_138 = arith.constant 0 : i32
    %dma_wait3A_139 = arith.constant 0 : i32
    %dma_wait3A_140 = tpu.memref_slice %arg7[%dma_wait3A_138, %dma_wait3A_139] : memref<1001x64xf32, #tpu.memory_space<vmem_shared>> -> memref<1001x64xf32, #tpu.memory_space<vmem_shared>>
    tpu.wait_indirect_dma semaphore(%arg8 : memref<!tpu.dma_semaphore, #tpu.memory_space<semaphore_mem>>) src(%dma_wait3A_140 : memref<1001x64xf32, #tpu.memory_space<vmem_shared>>) dst(%dma_wait3A_134 : memref<128x64xf32, #tpu.memory_space<vmem>>)
    %dma_wait3A_141 = arith.constant 6 : i32
    %dma_wait3A_142 = arith.constant 768 : i32
    %dma_wait3A_143 = arith.constant 0 : i32
    %dma_wait3A_144 = tpu.memref_slice %arg6[%dma_wait3A_142, %dma_wait3A_143] : memref<1024x64xf32, #tpu.memory_space<vmem>> -> memref<128x64xf32, #tpu.memory_space<vmem>>
    %dma_wait3A_145 = arith.constant 0 : i32
    %dma_wait3A_146 = tpu.memref_slice %arg5[%dma_wait3A_141, %dma_wait3A_145] : memref<8x128xi32, #tpu.memory_space<vmem>> -> memref<1x128xi32, #tpu.memory_space<vmem>>
    %dma_wait3A_147 = tpu.memref_squeeze %dma_wait3A_146 : memref<1x128xi32, #tpu.memory_space<vmem>> -> memref<128xi32, #tpu.memory_space<vmem>>
    %dma_wait3A_148 = arith.constant 0 : i32
    %dma_wait3A_149 = arith.constant 0 : i32
    %dma_wait3A_150 = tpu.memref_slice %arg7[%dma_wait3A_148, %dma_wait3A_149] : memref<1001x64xf32, #tpu.memory_space<vmem_shared>> -> memref<1001x64xf32, #tpu.memory_space<vmem_shared>>
    tpu.wait_indirect_dma semaphore(%arg8 : memref<!tpu.dma_semaphore, #tpu.memory_space<semaphore_mem>>) src(%dma_wait3A_150 : memref<1001x64xf32, #tpu.memory_space<vmem_shared>>) dst(%dma_wait3A_144 : memref<128x64xf32, #tpu.memory_space<vmem>>)
    %dma_wait3A_151 = arith.constant 7 : i32
    %dma_wait3A_152 = arith.constant 896 : i32
    %dma_wait3A_153 = arith.constant 0 : i32
    %dma_wait3A_154 = tpu.memref_slice %arg6[%dma_wait3A_152, %dma_wait3A_153] : memref<1024x64xf32, #tpu.memory_space<vmem>> -> memref<128x64xf32, #tpu.memory_space<vmem>>
    %dma_wait3A_155 = arith.constant 0 : i32
    %dma_wait3A_156 = tpu.memref_slice %arg5[%dma_wait3A_151, %dma_wait3A_155] : memref<8x128xi32, #tpu.memory_space<vmem>> -> memref<1x128xi32, #tpu.memory_space<vmem>>
    %dma_wait3A_157 = tpu.memref_squeeze %dma_wait3A_156 : memref<1x128xi32, #tpu.memory_space<vmem>> -> memref<128xi32, #tpu.memory_space<vmem>>
    %dma_wait3A_158 = arith.constant 0 : i32
    %dma_wait3A_159 = arith.constant 0 : i32
    %dma_wait3A_160 = tpu.memref_slice %arg7[%dma_wait3A_158, %dma_wait3A_159] : memref<1001x64xf32, #tpu.memory_space<vmem_shared>> -> memref<1001x64xf32, #tpu.memory_space<vmem_shared>>
    tpu.wait_indirect_dma semaphore(%arg8 : memref<!tpu.dma_semaphore, #tpu.memory_space<semaphore_mem>>) src(%dma_wait3A_160 : memref<1001x64xf32, #tpu.memory_space<vmem_shared>>) dst(%dma_wait3A_154 : memref<128x64xf32, #tpu.memory_space<vmem>>)
    %mul3A_161 = arith.constant 1024 : i32
    %mul3A_162 = arith.muli %add3A, %mul3A_161 : i32
    "tpu.region"() ({
      %run_scoped3A = tpu.sem_alloc : memref<!tpu.dma_semaphore, #tpu.memory_space<semaphore_mem>>
      %dma_start3A_163 = arith.constant 0 : i32
      %dma_start3A_164 = tpu.memref_slice %arg4[%mul3A_162, %dma_start3A_163] : memref<32768x64xf32, #tpu.memory_space<hbm>> -> memref<1024x64xf32, #tpu.memory_space<hbm>>
      %dma_start3A_165 = arith.constant 0 : i32
      %dma_start3A_166 = tpu.memref_slice %arg4[%mul3A_162, %dma_start3A_165] : memref<32768x64xf32, #tpu.memory_space<hbm>> -> memref<1024x64xf32, #tpu.memory_space<hbm>>
      tpu.enqueue_dma source(%arg6 : memref<1024x64xf32, #tpu.memory_space<vmem>>) target(%dma_start3A_166 : memref<1024x64xf32, #tpu.memory_space<hbm>>) target_semaphore(%run_scoped3A : memref<!tpu.dma_semaphore, #tpu.memory_space<semaphore_mem>>)
      %dma_wait3A_167 = arith.constant 0 : i32
      %dma_wait3A_168 = tpu.memref_slice %arg4[%mul3A_162, %dma_wait3A_167] : memref<32768x64xf32, #tpu.memory_space<hbm>> -> memref<1024x64xf32, #tpu.memory_space<hbm>>
      %dma_wait3A_169 = arith.constant 0 : i32
      %dma_wait3A_170 = tpu.memref_slice %arg4[%mul3A_162, %dma_wait3A_169] : memref<32768x64xf32, #tpu.memory_space<hbm>> -> memref<1024x64xf32, #tpu.memory_space<hbm>>
      tpu.wait_dma2 semaphore(%run_scoped3A : memref<!tpu.dma_semaphore, #tpu.memory_space<semaphore_mem>>) src(%arg6 : memref<1024x64xf32, #tpu.memory_space<vmem>>) dst(%dma_wait3A_170 : memref<1024x64xf32, #tpu.memory_space<hbm>>)
      tpu.yield
    }) : () -> ()
    return
  }
}

</mosaic_0001>

<sc_bundles>
// kernel: kernel.3.cloned.1.call-start
scs
__scs_entry_jumppad:
0x0: {  	(pc) =	sbr.rel $0x88, $3  }
0x1: {  	(tag) =	ssettag $0x0;
	lr =	simm.s32 $0x1  }
0x2: {  	[smem:$0x3F9F] =	sst lr;
	_ =	strace $0xD0000000  }
0x3: {  	_ = 	snop  }
0x4: {  	_ = 	snop  }
0x5: {  	_ = 	snop  }
0x6: {  	_ = 	snop  }
0x7: {  	_ = 	snop  }
__scs_overlays_trampoline_lowered:
0x8: {  	[smem:$0x3FAE] =	sst s0  }
0x9: {  	[smem:$0x3FAF] =	sst s1  }
0xa: {  	[smem:$0x3FB0] =	sst s2  }
0xb: {  	[smem:$0x3FB1] =	sst s3  }
0xc: {  	[smem:$0x3FB2] =	sst s4  }
0xd: {  	[smem:$0x3FB3] =	sst s5  }
0xe: {  	[smem:$0x3FB4] =	sst s6  }
0xf: {  	[smem:$0x3FB5] =	sst s7  }
0x10: {  	[smem:$0x3FB6] =	sst s8  }
0x11: {  	[smem:$0x3FB7] =	sst s9;
	s0 =	simm.s32 @!p0 $0x0  }
0x12: {  	s1 =	sld [smem:$0x3F9D];
	s0 =	simm.s32 @p0 $0x1  }
0x13: {  	[smem:$0x3FB8] =	sst s0;
	s0 =	simm.s32 @!p1 $0x0  }
0x14: {  	s2 =	sld [smem:$0x3F9C];
	s0 =	simm.s32 @p1 $0x1  }
0x15: {  	[smem:$0x3FB9] =	sst s0;
	s0 =	simm.s32 @!p2 $0x0  }
0x16: {  	s3 =	sld [smem:$0x3FDB];
	s0 =	simm.s32 @p2 $0x1  }
0x17: {  	s4 =	simm.s32 $0x1BF5;
	[smem:$0x3FBB] =	sst s0  }
0x18: {  	s0 =	sld [smem:$0x3F9E];
	_ =	swait.ge [sflag:s4], $0x0  }
0x19: {  	s7 =	sld [smem:$0x3F9F]  }
0x1a: {  	s8 =	sadd.s32 $0xFFFFE003, lr  }
0x1b: {  	s9 =	sadd.s32 $0xFFFFFEF7, lr;
	s5 =	simm.s32 $0xFFFFFFFF;
	p2 =	slt.u32 s8, $0xFFFFF086  }
0x1c: {  	p1 =	slt.u32 s9, $0xF7A;
	s5 =	simm.s32 @!p2 $0x0  }
0x1d: {  	s5 =	simm.s32 @p1 $0x1;
	p0 =	seq.s32 s7, s2  }
0x1e: {  	s7 =	smul.u32 @!p0 $0xF7A, s2;
	p2 =	seq.s32 @!p0 s5, $0x0  }
0x1f: {  	s9 =	smul.u32 $0xF7A, s1;
	s8 =	simm.s32 @!p0 $0x1BF5;
	p2 =	por !p2, p0  }
0x20: {  	[sflag:s8] =	ssyncset.s32 @!p0 $0xFFFFF086;
	s6 =	sadd.s32 @!p0 s3, s7;
	s7 =	simm.s32 @!p0 $0x108  }
0x21: {  	s3 =	sadd.s32 s3, s9;
	s6 =	sadd.s32 @!p0 $0x88, s6;
	s7 =	simm.s32 @p2 $0x1082  }
0x22: {  	[simem:s7], [sflag:s8] =	dma.local @!p0 [hbm:s6], $0xF7A  }
0x23: {  	s9 =	sor.u32 $0xD0000000, s2;
	s6 =	simm.s32 $0x108;
	_ =	swait.ge @!p0 [sflag:s8], $0x0  }
0x24: {  	s3 =	sadd.s32 $0x88, s3;
	s6 =	simm.s32 @!p1 $0x1082;
	[sflag:s4] =	ssyncset.s32 $0xFFFFF086  }
0x25: {  	[simem:s6], [sflag:s4] =	dma.local [hbm:s3], $0xF7A  }
0x26: {  	[smem:$0x3F9F] =	sst s1;
	(tag) =	ssettag s2;
	_ =	strace s9  }
0x27: {  	s1 =	sld [smem:$0x3FAF]  }
0x28: {  	s2 =	sld [smem:$0x3FB0]  }
0x29: {  	s4 =	sld [smem:$0x3FB2]  }
0x2a: {  	p0 =	seq.s32 s5, $0x0;
	s5 =	sld [smem:$0x3FB3]  }
0x2b: {  	s6 =	sld [smem:$0x3FB4]  }
0x2c: {  	s7 =	sld [smem:$0x3FB5]  }
0x2d: {  	s3 =	simm.s32 $0x108;
	s8 =	sld [smem:$0x3FB6]  }
0x2e: {  	s3 =	simm.s32 @!p0 $0x1082;
	s9 =	sld [smem:$0x3FB7]  }
0x2f: {  	lr =	sadd.s32 s0, s3;
	s0 =	sld [smem:$0x3FAE]  }
0x30: {  	s3 =	sld [smem:$0x3FB1]  }
0x31: {  	[smem:$0x3FBA] =	sst s10  }
0x32: {  	s10 =	sld [smem:$0x3FB8];
	_ =	sdelay $0x3  }
0x33: {  	p0 =	seq.s32 s10, $0x1;
	s10 =	sld [smem:$0x3FBA];
	_ =	sdelay $0x3  }
0x34: {  	[smem:$0x3FBA] =	sst s10  }
0x35: {  	s10 =	sld [smem:$0x3FB9];
	_ =	sdelay $0x3  }
0x36: {  	p1 =	seq.s32 s10, $0x1;
	s10 =	sld [smem:$0x3FBA];
	_ =	sdelay $0x3  }
0x37: {  	[smem:$0x3FBA] =	sst s10  }
0x38: {  	s10 =	sld [smem:$0x3FBB]  }
0x39: {  	_ = 	snop;
	(pc) =	sbr.ind lr, $3  }
0x3a: {  	_ = 	snop  }
0x3b: {  	_ = 	snop  }
0x3c: {  	p2 =	seq.s32 s10, $0x1;
	s10 =	sld [smem:$0x3FBA]  }
0x3d: {  	_ =	shalt  }
0x3e: {  	_ =	shalt  }
0x3f: {  	_ =	shalt  }
0x40: {  	_ =	shalt  }
0x41: {  	_ =	shalt  }
0x42: {  	_ =	shalt  }
0x43: {  	_ =	shalt  }
0x44: {  	_ =	shalt  }
0x45: {  	_ =	shalt  }
0x46: {  	_ =	shalt  }
0x47: {  	_ =	shalt  }
0x48: {  	_ =	shalt  }
0x49: {  	_ =	shalt  }
0x4a: {  	_ =	shalt  }
0x4b: {  	_ =	shalt  }
0x4c: {  	_ =	shalt  }
0x4d: {  	_ =	shalt  }
0x4e: {  	_ =	shalt  }
0x4f: {  	_ =	shalt  }
0x50: {  	_ =	shalt  }
0x51: {  	_ =	shalt  }
0x52: {  	_ =	shalt  }
0x53: {  	_ =	shalt  }
0x54: {  	_ =	shalt  }
0x55: {  	_ =	shalt  }
0x56: {  	_ =	shalt  }
0x57: {  	_ =	shalt  }
0x58: {  	_ =	shalt  }
0x59: {  	_ =	shalt  }
0x5a: {  	_ =	shalt  }
0x5b: {  	_ =	shalt  }
0x5c: {  	_ =	shalt  }
0x5d: {  	_ =	shalt  }
0x5e: {  	_ =	shalt  }
0x5f: {  	_ =	shalt  }
0x60: {  	_ =	shalt  }
0x61: {  	_ =	shalt  }
0x62: {  	_ =	shalt  }
0x63: {  	_ =	shalt  }
0x64: {  	_ =	shalt  }
0x65: {  	_ =	shalt  }
0x66: {  	_ =	shalt  }
0x67: {  	_ =	shalt  }
0x68: {  	_ =	shalt  }
0x69: {  	_ =	shalt  }
0x6a: {  	_ =	shalt  }
0x6b: {  	_ =	shalt  }
0x6c: {  	_ =	shalt  }
0x6d: {  	_ =	shalt  }
0x6e: {  	_ =	shalt  }
0x6f: {  	_ =	shalt  }
0x70: {  	_ =	shalt  }
0x71: {  	_ =	shalt  }
0x72: {  	_ =	shalt  }
0x73: {  	_ =	shalt  }
0x74: {  	_ =	shalt  }
0x75: {  	_ =	shalt  }
0x76: {  	_ =	shalt  }
0x77: {  	_ =	shalt  }
0x78: {  	_ =	shalt  }
0x79: {  	_ =	shalt  }
0x7a: {  	_ =	shalt  }
0x7b: {  	_ =	shalt  }
0x7c: {  	_ =	shalt  }
0x7d: {  	_ =	shalt  }
0x7e: {  	_ =	shalt  }
0x7f: {  	_ =	shalt  }
0x80: {  	_ =	shalt  }
0x81: {  	_ =	shalt  }
0x82: {  	_ =	shalt  }
0x83: {  	_ =	shalt  }
0x84: {  	_ =	shalt  }
0x85: {  	_ =	shalt  }
0x86: {  	_ =	shalt  }
0x87: {  	_ =	shalt  }
.Lfunc_end0:
.L_simem_size_0:
called_computation_lowered:
.L_overlay_start_0:
0x88: {  	s2 =	sld [smem:$0x3FD9]  }
0x89: {  	s3 =	sld [smem:$0x3FFE];
	_ =	sdelay $0x1  }
0x8a: {  	s1 =	srdreg.scid  }
0x8b: {  	s0 =	sand.u32 $0x1, s1  }
0x8c: {  	s17 =	sshll.u32 s0, $0xA;
	s2 =	sadd.s32 s3, s2  }
0x8d: {  	s2 =	sadd.s32 s2, s17  }
0x8e: {  	[smem:$0x3FC6] =	sst s2  }
0x8f: {  	_ = 	snop  }
0x90: {  	s2 =	sld [smem:$0x3FD0];
	(tm) =	ssettm $0x1  }
0x91: {  	s18 =	sld [smem:$0x3FFB];
	_ =	sdelay $0x3  }
0x92: {  	_ =	strace s18  }
0x93: {  	s3 =	sld [smem:$0x3FFC];
	_ =	sdelay $0x3  }
0x94: {  	_ =	strace s3  }
0x95: {  	s3 =	sld [smem:$0x3FFD];
	_ =	sdelay $0x3  }
0x96: {  	_ =	strace s3  }
0x97: {  	_ =	strace $0x8FFFFFFF  }
0x98: {  	s19 =	sld [smem:$0x3FDB];
	_ =	sdelay $0x1  }
0x99: {  	s4 =	simm.s32 $_scs_section_size  }
0x9a: {  	s5 =	simm.s32 $_size__tile_overlayer_lowered;
	s6 =	simm.s32 $_tile_overlayer_lowered  }
0x9b: {  	s22 =	simm.s32 $0x1BFF;
	s21 =	sshll.u32 s6, $0x1;
	s3 =	sadd.s32 s4, s19  }
0x9c: {  	s7 =	simm.s32 $0x0;
	s20 =	sshll.u32 s5, $0x1;
	s5 =	sadd.s32 s21, s3  }
0x9d: {  	[timem:s7], [sflag:s22] =	dma.local [hbm:s5], s20  }
0x9e: {  	_ =	swait.ge [sflag:s22], s20  }
0x9f: {  	s4 =	ssub.s32 $0x0, s20;
	[sflag:s22] =	ssyncset.done $0x0  }
0xa0: {  	[sflag:s22] =	ssyncadd.s32 s4;
	_ =	sdelay $0x1  }
0xa1: {  	s23 =	simm.s32 $0x1B8B  }
0xa2: {  	_ =	swait.ge [sflag:s23], $0x1  }
0xa3: {  	[sflag:s23] =	ssyncset.done $0x0  }
0xa4: {  	s25 =	simm.s32 $0x1B8E;
	s24 =	sld [smem:$0x3FFE];
	[sflag:s23] =	ssyncadd.s32 $0xFFFFFFFF  }
0xa5: {  	s26 =	simm.s32 $execute0_lowered;
	[smem:$0x3FD2] =	sst s25  }
0xa6: {  	s5 =	sshll.u32 s26, $0x1;
	_ =	strace $0x80000046;
	[dreg:$0x1] =	wrdreg $0xFFFFFFFF  }
0xa7: {  	s28 =	simm.s32 $_size_execute0_lowered;
	s3 =	sadd.s32 s3, s5;
	[dreg:$0x0] =	wrdreg $0x0  }
0xa8: {  	s5 =	sshll.u32 s28, $0x1;
	[dreg:$0x2] =	wrdreg s3  }
0xa9: {  	[dreg:$0x3] =	wrdreg s5  }
0xaa: {  	[dreg:$0x4] =	wrdreg $0xC0  }
0xab: {  	_ =	task [dreg:s7], $0x5FFFF  }
0xac: {  	[dreg:$0x1] =	wrdreg $0xFFFFFFFF  }
0xad: {  	[dreg:$0x0] =	wrdreg $0x60  }
0xae: {  	[dreg:$0x2] =	wrdreg s24  }
0xaf: {  	[dreg:$0x3] =	wrdreg s2  }
0xb0: {  	[dreg:$0x4] =	wrdreg $0x104000  }
0xb1: {  	[dreg:$0x5] =	wrdreg $0x9  }
0xb2: {  	_ =	task.clear_ibuf [dreg:s7], $0x6FFFF;
	_ =	strace $0x90000046  }
0xb3: {  	s29 =	simm.s32 $0x9;
	_ =	strace $0x80000048  }
0xb4: {  	_ =	swait.ge [sflag:s29], $0x1  }
0xb5: {  	[sflag:s29] =	ssyncadd.s32 $0xFFFFFFFF  }
0xb6: {  	_ =	strace $0x90000048  }
0xb7: {  	_ =	sfence  }
0xb8: {  	s30 =	sld [smem:$0x0];
	_ =	sdelay $0x2  }
0xb9: {  	s31 =	sshll.u32 s1, $0xD;
	s1 =	sshrl.u32 s1, $0x2  }
0xba: {  	s3 =	sand.u32 $0x4000, s31;
	s1 =	sadd.s32 s1, s30  }
0xbb: {  	s0 =	sor.u32 s3, s0;
	s1 =	sshll.u32 s1, $0x11  }
0xbc: {  	s0 =	sor.u32 s1, s0  }
0xbd: {  	s0 =	sadd.s32 $0x8F2B, s0  }
0xbe: {  	[sflag:s0] =	ssyncadd.remote.s32 $0x1  }
0xbf: {  	_ =	sfence.sel $0xFFFF  }
0xc0: {  	[dreg:$0x0] =	wrdreg $0xFFFFFFFF;
	(pc) =	sbr.abs _section_cstart, $3  }
0xc1: {  	[dreg:$0x1] =	wrdreg $0xFFFFFFFF  }
0xc2: {  	_ =	task.clear_ibuf [dreg:s7], $0x2FFFF;
	_ =	strace $0x9FFFFFFF  }
0xc3: {  	(tm) =	ssettm $0x7FFFFFFF  }
tec
execute0_lowered:
.L_overlay_start_1:
0x0: {  	(tag) =	ssettag $0x1  }
0x1: {  	s2 =	rddreg [dreg:$0x0]  }
0x2: {  	s3 =	rddreg [dreg:$0x1]  }
0x3: {  	s4 =	rddreg [dreg:$0x2];
	s1 =	srdreg.scid  }
0x4: {  	s0 =	rddreg [dreg:$0x3];
	s5 =	stileid.u32;
	s10 =	simm.s32 $0x2400  }
0x5: {  	s11 =	simm.s32 $0x100;
	s12 =	simm.s32 $0x4400;
	s13 =	simm.s32 $0x180  }
0x6: {  	s14 =	simm.s32 $0x6400;
	s15 =	simm.s32 $0x200;
	s6 =	sand.u32 $0x1, s1  }
0x7: {  	s16 =	simm.s32 $0x8400;
	s8 =	sshll.u32 s6, $0xA;
	s6 =	ssub.s32 $0x2, s6  }
0x8: {  	s17 =	simm.s32 $0x280;
	s18 =	simm.s32 $0xA400;
	s30 =	sshrl.u32 s6, $0x1  }
0x9: {  	s19 =	simm.s32 $0x300;
	s21 =	simm.s32 $0xC400;
	s6 =	ssub.s32 s6, s30  }
0xa: {  	s22 =	simm.s32 $0x380;
	s23 =	simm.s32 $0xE400;
	s6 =	smax.u32 s6, $0x1  }
0xb: {  	p1 =	por $0x0, $0x0;
	s1 =	simm.s32 $0x0;
	s26 =	sadd.s32 $0xFFFFFFFF, s6  }
0xc: {  	s7 =	sshll.u32 s5, $0xB;
	s9 =	sadd.s32 $0x400, s2;
	p2 =	sne.s32 s26, $0x0  }
.Ltmp0:
0xd: {  	p0 =	sne.s32 s5, $0x0;
	s5 =	simm.s32 $0x400;
	(pc) =	sbr.rel @!p2 .LBB2_3-.Ltmp0, $4  }
0xe: {  	[smem:$0x7FF] =	sst s1;
	s20 =	sshrl.u32 @!p0 s4, $0x3;
	s7 =	sor.u32 s8, s7  }
0xf: {  	_ =	strace $0x80000047;
	s8 =	sshrl.u32 s7, $0x3;
	s31 =	sshll.u32 s7, $0x3  }
0x10: {  	s7 =	simm.s32 $0x80;
	s8 =	sadd.s32 s8, s2;
	s2 =	sadd.s32 s3, s31  }
0x11: {  	s3 =	simm.s32 $0x2;
	s8 =	sadd.s32 $0x2400, s8;
	s6 =	simm.s32 $0x1  }
0x12: {  	s24 =	simm.s32 @!p0 $0x1C02;
	s25 =	simm.s32 @!p0 $0x2  }
0x13: {  	[spmem:s20], [sflag:s24] =	dma.local @!p0 [hbm:s9], $0x1F48  }
0x14: {  	_ =	swait.ge @!p0 [sflag:s25], $0x1F48  }
0x15: {  	[sflag:s25] =	ssyncset.done @!p0 $0x0  }
0x16: {  	[sflag:s25] =	ssyncadd.s32 @!p0 $0xFFFFE0B8  }
0x17: {  	[tilespmem:s1], [sflag:$0x2] =	stream.linear.gather [hbm4b:s8+s1], $0x400, $0x38;
	[tilespmem:$0x113A8] =	vst v63  }
0x18: {  	_ =	swait.ge [sflag:s3], $0x400  }
0x19: {  	[sflag:s3] =	ssyncset.done $0x0  }
0x1a: {  	[sflag:s3] =	ssyncadd.s32 $0xFFFFFC00  }
0x1b: {  	[bflag:$0x0] =	sbarrier.arrive $0xFFFF  }
0x1c: {  	[tilespmem:s5], [sflag:$0x1] =	stream.indirect.gather [spmem:s4], $0x40, s1, s7, $0xb8;
	[tilespmem:$0x113A8] =	vst v63  }
0x1d: {  	_ = 	snop  }
0x1e: {  	[tilespmem:s10], [sflag:$0x1] =	stream.indirect.gather [spmem:s4], $0x40, s7, s7, $0xb8;
	[tilespmem:$0x113A8] =	vst v63  }
0x1f: {  	_ = 	snop  }
0x20: {  	[tilespmem:s12], [sflag:$0x1] =	stream.indirect.gather [spmem:s4], $0x40, s11, s7, $0xb8;
	[tilespmem:$0x113A8] =	vst v63  }
0x21: {  	_ = 	snop  }
0x22: {  	[tilespmem:s14], [sflag:$0x1] =	stream.indirect.gather [spmem:s4], $0x40, s13, s7, $0xb8;
	[tilespmem:$0x113A8] =	vst v63  }
0x23: {  	_ = 	snop  }
0x24: {  	[tilespmem:s16], [sflag:$0x1] =	stream.indirect.gather [spmem:s4], $0x40, s15, s7, $0xb8;
	[tilespmem:$0x113A8] =	vst v63  }
0x25: {  	_ = 	snop  }
0x26: {  	[tilespmem:s18], [sflag:$0x1] =	stream.indirect.gather [spmem:s4], $0x40, s17, s7, $0xb8;
	[tilespmem:$0x113A8] =	vst v63  }
0x27: {  	_ = 	snop  }
0x28: {  	[tilespmem:s21], [sflag:$0x1] =	stream.indirect.gather [spmem:s4], $0x40, s19, s7, $0xb8;
	[tilespmem:$0x113A8] =	vst v63  }
0x29: {  	_ = 	snop  }
0x2a: {  	[tilespmem:s23], [sflag:$0x1] =	stream.indirect.gather [spmem:s4], $0x40, s22, s7, $0xb8;
	[tilespmem:$0x113A8] =	vst v63  }
0x2b: {  	_ =	swait.ge [sflag:s6], $0x2000  }
0x2c: {  	[sflag:s6] =	ssyncset.done $0x0  }
0x2d: {  	[sflag:s6] =	ssyncadd.s32 $0xFFFFE000  }
0x2e: {  	_ =	swait.ge [sflag:s6], $0x2000  }
0x2f: {  	[sflag:s6] =	ssyncset.done $0x0  }
0x30: {  	[sflag:s6] =	ssyncadd.s32 $0xFFFFE000  }
0x31: {  	_ =	swait.ge [sflag:s6], $0x2000  }
0x32: {  	[sflag:s6] =	ssyncset.done $0x0  }
0x33: {  	[sflag:s6] =	ssyncadd.s32 $0xFFFFE000  }
0x34: {  	_ =	swait.ge [sflag:s6], $0x2000  }
0x35: {  	[sflag:s6] =	ssyncset.done $0x0  }
0x36: {  	[sflag:s6] =	ssyncadd.s32 $0xFFFFE000  }
0x37: {  	_ =	swait.ge [sflag:s6], $0x2000  }
0x38: {  	[sflag:s6] =	ssyncset.done $0x0  }
0x39: {  	[sflag:s6] =	ssyncadd.s32 $0xFFFFE000  }
0x3a: {  	_ =	swait.ge [sflag:s6], $0x2000  }
0x3b: {  	[sflag:s6] =	ssyncset.done $0x0  }
0x3c: {  	[sflag:s6] =	ssyncadd.s32 $0xFFFFE000  }
0x3d: {  	_ =	swait.ge [sflag:s6], $0x2000  }
0x3e: {  	[sflag:s6] =	ssyncset.done $0x0  }
0x3f: {  	s26 =	sadd.s32 $0xFFFFFFFF, s26;
	[sflag:s6] =	ssyncadd.s32 $0xFFFFE000  }
0x40: {  	p2 =	sne.s32 s26, $0x0;
	_ =	swait.ge [sflag:s6], $0x2000  }
.Ltmp1:
0x41: {  	[sflag:s6] =	ssyncset.done $0x0;
	(pc) =	sbr.rel @!p2 .LBB2_3-.Ltmp1, $4  }
0x42: {  	[sflag:s6] =	ssyncadd.s32 $0xFFFFE000  }
0x43: {  	[hbm4b:s2+s1] =	stream.linear.scatter [tilespmem:s5], [sflag:$0x2], $0x10000, $0x38;
	[tilespmem:$0x113A8] =	vst v63  }
0x44: {  	_ =	swait.ge [sflag:s3], $0x10000  }
0x45: {  	p1 =	por $0x1, $0x1;
	[sflag:s3] =	ssyncset.done $0x0  }
.LBB2_2:
0x46: {  	[sflag:s3] =	ssyncadd.s32 $0xFFFF0000  }
0x47: {  	[spmem:s20], [sflag:s24] =	dma.local @!p0 [hbm:s9], $0x1F48  }
0x48: {  	s26 =	sadd.s32 $0xFFFFFFFF, s26;
	_ =	swait.ge @!p0 [sflag:s25], $0x1F48  }
0x49: {  	p2 =	sne.s32 s26, $0x0;
	[sflag:s25] =	ssyncset.done @!p0 $0x0  }
0x4a: {  	[sflag:s25] =	ssyncadd.s32 @!p0 $0xFFFFE0B8  }
0x4b: {  	[tilespmem:s1], [sflag:$0x2] =	stream.linear.gather [hbm4b:s8+s1], $0x400, $0x38;
	[tilespmem:$0x113A8] =	vst v63  }
0x4c: {  	_ =	swait.ge [sflag:s3], $0x400  }
0x4d: {  	[sflag:s3] =	ssyncset.done $0x0  }
0x4e: {  	[sflag:s3] =	ssyncadd.s32 $0xFFFFFC00  }
0x4f: {  	[bflag:$0x0] =	sbarrier.arrive $0xFFFF  }
0x50: {  	[tilespmem:s5], [sflag:$0x1] =	stream.indirect.gather [spmem:s4], $0x40, s1, s7, $0xb8;
	[tilespmem:$0x113A8] =	vst v63  }
0x51: {  	_ = 	snop  }
0x52: {  	[tilespmem:s10], [sflag:$0x1] =	stream.indirect.gather [spmem:s4], $0x40, s7, s7, $0xb8;
	[tilespmem:$0x113A8] =	vst v63  }
0x53: {  	_ = 	snop  }
0x54: {  	[tilespmem:s12], [sflag:$0x1] =	stream.indirect.gather [spmem:s4], $0x40, s11, s7, $0xb8;
	[tilespmem:$0x113A8] =	vst v63  }
0x55: {  	_ = 	snop  }
0x56: {  	[tilespmem:s14], [sflag:$0x1] =	stream.indirect.gather [spmem:s4], $0x40, s13, s7, $0xb8;
	[tilespmem:$0x113A8] =	vst v63  }
0x57: {  	_ = 	snop  }
0x58: {  	[tilespmem:s16], [sflag:$0x1] =	stream.indirect.gather [spmem:s4], $0x40, s15, s7, $0xb8;
	[tilespmem:$0x113A8] =	vst v63  }
0x59: {  	_ = 	snop  }
0x5a: {  	[tilespmem:s18], [sflag:$0x1] =	stream.indirect.gather [spmem:s4], $0x40, s17, s7, $0xb8;
	[tilespmem:$0x113A8] =	vst v63  }
0x5b: {  	_ = 	snop  }
0x5c: {  	[tilespmem:s21], [sflag:$0x1] =	stream.indirect.gather [spmem:s4], $0x40, s19, s7, $0xb8;
	[tilespmem:$0x113A8] =	vst v63  }
0x5d: {  	_ = 	snop  }
0x5e: {  	[tilespmem:s23], [sflag:$0x1] =	stream.indirect.gather [spmem:s4], $0x40, s22, s7, $0xb8;
	[tilespmem:$0x113A8] =	vst v63  }
0x5f: {  	_ =	swait.ge [sflag:s6], $0x2000  }
0x60: {  	[sflag:s6] =	ssyncset.done $0x0  }
0x61: {  	[sflag:s6] =	ssyncadd.s32 $0xFFFFE000  }
0x62: {  	_ =	swait.ge [sflag:s6], $0x2000  }
0x63: {  	[sflag:s6] =	ssyncset.done $0x0  }
0x64: {  	[sflag:s6] =	ssyncadd.s32 $0xFFFFE000  }
0x65: {  	_ =	swait.ge [sflag:s6], $0x2000  }
0x66: {  	[sflag:s6] =	ssyncset.done $0x0  }
0x67: {  	[sflag:s6] =	ssyncadd.s32 $0xFFFFE000  }
0x68: {  	_ =	swait.ge [sflag:s6], $0x2000  }
0x69: {  	[sflag:s6] =	ssyncset.done $0x0  }
0x6a: {  	[sflag:s6] =	ssyncadd.s32 $0xFFFFE000  }
0x6b: {  	_ =	swait.ge [sflag:s6], $0x2000  }
0x6c: {  	[sflag:s6] =	ssyncset.done $0x0  }
0x6d: {  	[sflag:s6] =	ssyncadd.s32 $0xFFFFE000  }
0x6e: {  	_ =	swait.ge [sflag:s6], $0x2000  }
0x6f: {  	[sflag:s6] =	ssyncset.done $0x0  }
0x70: {  	[sflag:s6] =	ssyncadd.s32 $0xFFFFE000  }
0x71: {  	_ =	swait.ge [sflag:s6], $0x2000  }
0x72: {  	[sflag:s6] =	ssyncset.done $0x0  }
0x73: {  	[sflag:s6] =	ssyncadd.s32 $0xFFFFE000  }
0x74: {  	_ =	swait.ge [sflag:s6], $0x2000  }
.Ltmp2:
0x75: {  	[sflag:s6] =	ssyncset.done $0x0;
	(pc) =	sbr.rel @p2 .LBB2_2-.Ltmp2, $4  }
0x76: {  	[sflag:s6] =	ssyncadd.s32 $0xFFFFE000  }
0x77: {  	[hbm4b:s2+s1] =	stream.linear.scatter [tilespmem:s5], [sflag:$0x2], $0x10000, $0x38;
	[tilespmem:$0x113A8] =	vst v63  }
0x78: {  	_ =	swait.ge [sflag:s3], $0x10000  }
0x79: {  	[sflag:s3] =	ssyncset.done $0x0  }
.LBB2_3:
0x7a: {  	s24 =	simm.s32 @!p0 $0x1C02;
	s25 =	simm.s32 @!p0 $0x2;
	[sflag:s3] =	ssyncadd.s32 @p1 $0xFFFF0000  }
0x7b: {  	[spmem:s20], [sflag:s24] =	dma.local @!p0 [hbm:s9], $0x1F48  }
0x7c: {  	_ =	swait.ge @!p0 [sflag:s25], $0x1F48  }
0x7d: {  	[sflag:s25] =	ssyncset.done @!p0 $0x0  }
0x7e: {  	[sflag:s25] =	ssyncadd.s32 @!p0 $0xFFFFE0B8  }
0x7f: {  	[tilespmem:s1], [sflag:$0x2] =	stream.linear.gather [hbm4b:s8+s1], $0x400, $0x38;
	[tilespmem:$0x113A8] =	vst v63  }
0x80: {  	_ =	swait.ge [sflag:s3], $0x400  }
0x81: {  	[sflag:s3] =	ssyncset.done $0x0  }
0x82: {  	[sflag:s3] =	ssyncadd.s32 $0xFFFFFC00  }
0x83: {  	[bflag:$0x0] =	sbarrier.arrive $0xFFFF  }
0x84: {  	[tilespmem:s5], [sflag:$0x1] =	stream.indirect.gather [spmem:s4], $0x40, s1, s7, $0xb8;
	[tilespmem:$0x113A8] =	vst v63  }
0x85: {  	_ = 	snop  }
0x86: {  	[tilespmem:s10], [sflag:$0x1] =	stream.indirect.gather [spmem:s4], $0x40, s7, s7, $0xb8;
	[tilespmem:$0x113A8] =	vst v63  }
0x87: {  	_ = 	snop  }
0x88: {  	[tilespmem:s12], [sflag:$0x1] =	stream.indirect.gather [spmem:s4], $0x40, s11, s7, $0xb8;
	[tilespmem:$0x113A8] =	vst v63  }
0x89: {  	_ = 	snop  }
0x8a: {  	[tilespmem:s14], [sflag:$0x1] =	stream.indirect.gather [spmem:s4], $0x40, s13, s7, $0xb8;
	[tilespmem:$0x113A8] =	vst v63  }
0x8b: {  	_ = 	snop  }
0x8c: {  	[tilespmem:s16], [sflag:$0x1] =	stream.indirect.gather [spmem:s4], $0x40, s15, s7, $0xb8;
	[tilespmem:$0x113A8] =	vst v63  }
0x8d: {  	_ = 	snop  }
0x8e: {  	[tilespmem:s18], [sflag:$0x1] =	stream.indirect.gather [spmem:s4], $0x40, s17, s7, $0xb8;
	[tilespmem:$0x113A8] =	vst v63  }
0x8f: {  	_ = 	snop  }
0x90: {  	[tilespmem:s21], [sflag:$0x1] =	stream.indirect.gather [spmem:s4], $0x40, s19, s7, $0xb8;
	[tilespmem:$0x113A8] =	vst v63  }
0x91: {  	_ = 	snop  }
0x92: {  	[tilespmem:s23], [sflag:$0x1] =	stream.indirect.gather [spmem:s4], $0x40, s22, s7, $0xb8;
	[tilespmem:$0x113A8] =	vst v63  }
0x93: {  	_ =	swait.ge [sflag:s6], $0x2000  }
0x94: {  	[sflag:s6] =	ssyncset.done $0x0  }
0x95: {  	[sflag:s6] =	ssyncadd.s32 $0xFFFFE000  }
0x96: {  	_ =	swait.ge [sflag:s6], $0x2000  }
0x97: {  	[sflag:s6] =	ssyncset.done $0x0  }
0x98: {  	[sflag:s6] =	ssyncadd.s32 $0xFFFFE000  }
0x99: {  	_ =	swait.ge [sflag:s6], $0x2000  }
0x9a: {  	[sflag:s6] =	ssyncset.done $0x0  }
0x9b: {  	[sflag:s6] =	ssyncadd.s32 $0xFFFFE000  }
0x9c: {  	_ =	swait.ge [sflag:s6], $0x2000  }
0x9d: {  	[sflag:s6] =	ssyncset.done $0x0  }
0x9e: {  	[sflag:s6] =	ssyncadd.s32 $0xFFFFE000  }
0x9f: {  	_ =	swait.ge [sflag:s6], $0x2000  }
0xa0: {  	[sflag:s6] =	ssyncset.done $0x0  }
0xa1: {  	[sflag:s6] =	ssyncadd.s32 $0xFFFFE000  }
0xa2: {  	_ =	swait.ge [sflag:s6], $0x2000  }
0xa3: {  	[sflag:s6] =	ssyncset.done $0x0  }
0xa4: {  	[sflag:s6] =	ssyncadd.s32 $0xFFFFE000  }
0xa5: {  	_ =	swait.ge [sflag:s6], $0x2000  }
0xa6: {  	[sflag:s6] =	ssyncset.done $0x0  }
0xa7: {  	[sflag:s6] =	ssyncadd.s32 $0xFFFFE000  }
0xa8: {  	_ =	swait.ge [sflag:s6], $0x2000  }
0xa9: {  	[sflag:s6] =	ssyncset.done $0x0  }
0xaa: {  	[sflag:s6] =	ssyncadd.s32 $0xFFFFE000  }
0xab: {  	[hbm4b:s2+s1] =	stream.linear.scatter [tilespmem:s5], [sflag:$0x2], $0x10000, $0x38;
	[tilespmem:$0x113A8] =	vst v63  }
0xac: {  	_ =	swait.ge [sflag:s3], $0x10000  }
0xad: {  	[sflag:s3] =	ssyncset.done $0x0  }
0xae: {  	[sflag:s3] =	ssyncadd.s32 $0xFFFF0000  }
0xaf: {  	_ =	sfence.sel $0x180000  }
0xb0: {  	[bflag:$0x0] =	sbarrier.arrive $0xFFFF  }
0xb1: {  	_ =	strace $0x90000047  }
0xb2: {  	s0 =	sadd.s32 @!p0 $0x100000, s0;
	[bflag:$0x2] =	sbarrier.arrive $0xFFFF  }
0xb3: {  	[sflag:s0] =	ssyncadd.tile.s32 @!p0 $0x1;
	_ =	shalt  }
.Lfunc_end2:
_tile_overlayer_lowered:
.L_overlay_start_2:
0xb4: {  	(tag) =	ssettag $0x2  }
0xb5: {  	s0 =	rddreg [dreg:$0x0];
	s2 =	stileid.u32  }
0xb6: {  	s1 =	rddreg [dreg:$0x1];
	p0 =	sne.s32 s2, $0x0  }
0xb7: {  	s3 =	rddreg [dreg:$0x2];
	[bflag:$0x3] =	sbarrier.arrive $0xFFFF;
	s2 =	simm.s32 @!p0 $0x1C02  }
0xb8: {  	[timem:s3], [sflag:s2] =	dma.local @!p0 [hbm:s0], s1  }
0xb9: {  	s0 =	simm.s32 @!p0 $0x2  }
0xba: {  	_ =	swait.ge @!p0 [sflag:s0], s1  }
0xbb: {  	s1 =	ssub.s32 @!p0 $0x0, s1;
	[sflag:s0] =	ssyncset.done @!p0 $0x0  }
0xbc: {  	[sflag:s0] =	ssyncadd.s32 @!p0 s1  }
0xbd: {  	[bflag:$0x3] =	sbarrier.arrive $0xFFFF  }
0xbe: {  	_ =	shalt  }

</sc_bundles>
